<compile_context>
chip_gen: v7x
topology: tpu7x:2x2x1
jax: 0.10.2.dev20260603
libtpu: 0.0.44.dev20260713+nightly
codegen_flags: <defaults>
</compile_context>

<pallas_src>
import functools

import jax
import jax.numpy as jnp
from jax import lax
from jax.experimental import pallas as pl
from jax.experimental.pallas import tpu as pltpu
from jax.experimental.pallas import tpu_sc as plsc

_info = plsc.get_sparse_core_info()
_NC = _info.num_cores
_NS = _info.num_subcores
_L = _info.num_lanes
_NW = _NC * _NS


def kernel(inputs, table):
    batch, seq = inputs.shape
    vocab = table.shape[0]
    x = inputs.T
    cols_w = batch // _NW
    assert batch % _NW == 0 and cols_w % _L == 0

    mesh = plsc.VectorSubcoreMesh(core_axis_name="c", subcore_axis_name="s")

    @functools.partial(
        pl.kernel,
        mesh=mesh,
        out_type=jax.ShapeDtypeStruct((seq, batch), jnp.int32),
        scratch_types=[
            pltpu.VMEM((vocab,), jnp.int32),
            pltpu.VMEM((seq, cols_w), jnp.int32),
            pltpu.SemaphoreType.DMA,
            pltpu.SemaphoreType.DMA,
        ],
        compiler_params=pltpu.CompilerParams(
            needs_layout_passes=False,
            use_tc_tiling_on_sc=True,
        ),
    )
    def _lookup(idx_hbm, table_hbm, out_hbm, table_v, buf, sem_t, sem_i):
        wid = lax.axis_index("s") * _NC + lax.axis_index("c")
        base = wid * cols_w
        cp_t = pltpu.async_copy(table_hbm, table_v, sem_t)
        cp_i = pltpu.async_copy(idx_hbm.at[:, pl.ds(base, cols_w)], buf, sem_i)
        cp_i.wait()
        cp_t.wait()

        @plsc.parallel_loop(0, seq, unroll=2)
        def body(r):
            for c in range(cols_w // _L):
                off = c * _L
                keys = buf[r, pl.ds(off, _L)]
                vals = plsc.load_gather(table_v, [keys])
                buf[r, pl.ds(off, _L)] = vals

        pltpu.sync_copy(buf, out_hbm.at[:, pl.ds(base, cols_w)])

    out = _lookup(x, table)
    return out.T

# --- scband reference (transcript-rebuilt; emitter-appended) ---
"""Pipeline reference for scband-to-tokens-47064251630144 (READ-ONLY COPY).

The authoritative reference and input builder live on the scoring server;
editing this copy changes nothing except your own understanding.
"""

import jax, jax.numpy as jnp
import numpy as np

VOCAB = 100000
DEFAULT_VALUE = 0
BATCH = 4096
SEQ = 200


def setup_inputs(seed: int = 0) -> dict:
    key = jax.random.key(seed)
    k1, k2 = jax.random.split(key)
    # Pre-hashed string tokens represented as integer key ids in [0, VOCAB).
    inputs = jax.random.randint(k1, (BATCH, SEQ), 0, VOCAB, dtype=jnp.int32)
    # StaticHashTable values: key id -> token id. A dense int32 value array
    # indexed by key id models the KeyValueTensorInitializer table.
    table = jax.random.permutation(k2, jnp.arange(VOCAB, dtype=jnp.int32))
    return {"inputs": inputs, "table": table}


def reference(inputs, table):
    # Faithful translation of table.lookup(x): gather value for each key,
    # falling back to default_value for keys not present in the table
    # (modeled as out-of-range key ids).
    valid = (inputs >= 0) & (inputs < VOCAB)
    safe_idx = jnp.clip(inputs, 0, VOCAB - 1)
    gathered = jnp.take(table, safe_idx, axis=0)
    out = jnp.where(valid, gathered, jnp.int32(DEFAULT_VALUE))
    return out

if __name__ == "__main__":
    import jax
    _d = setup_inputs()
    print(jax.jit(kernel)(*tuple(_d.values())))

</pallas_src>

<mosaic_0001>
#map = affine_map<(d0, d1) -> (0, 0)>
#map1 = affine_map<(d0, d1) -> (0)>
module attributes {stable_mosaic.version = 14 : i64} {
  func.func @_lookup(%arg0: i32, %arg1: i32, %arg2: memref<200x4096xi32, #tpu.memory_space<hbm>>, %arg3: memref<100000xi32, #tpu.memory_space<hbm>>, %arg4: memref<200x4096xi32, #tpu.memory_space<hbm>>, %arg5: memref<100000xi32, #tpu.memory_space<vmem>>, %arg6: memref<200x128xi32, #tpu.memory_space<vmem>>, %arg7: memref<!tpu.dma_semaphore, #tpu.memory_space<semaphore_mem>>, %arg8: memref<!tpu.dma_semaphore, #tpu.memory_space<semaphore_mem>>) attributes {dimension_semantics = [#tpu.dimension_semantics<core_parallel>, #tpu.dimension_semantics<subcore_parallel>], iteration_bounds = array<i64: 2, 16>, scalar_prefetch = 0 : i64, scratch_operands = 4 : i64, tpu.core_type = #tpu.core_type<sc_vector_subcore>, window_params = [{transform_indices = #map}, {transform_indices = #map1}, {transform_indices = #map}]} {
    %mul3A = arith.constant 2 : i32
    %mul3A_0 = arith.muli %arg1, %mul3A : i32
    %add3A = arith.addi %mul3A_0, %arg0 : i32
    %mul3A_1 = arith.constant 128 : i32
    %mul3A_2 = arith.muli %add3A, %mul3A_1 : i32
    tpu.enqueue_dma source(%arg3 : memref<100000xi32, #tpu.memory_space<hbm>>) target(%arg5 : memref<100000xi32, #tpu.memory_space<vmem>>) target_semaphore(%arg7 : memref<!tpu.dma_semaphore, #tpu.memory_space<semaphore_mem>>)
    %dma_start3A = arith.constant 0 : i32
    %dma_start3A_3 = tpu.memref_slice %arg2[%dma_start3A, %mul3A_2] : memref<200x4096xi32, #tpu.memory_space<hbm>> -> memref<200x128xi32, #tpu.memory_space<hbm>>
    %dma_start3A_4 = arith.constant 0 : i32
    %dma_start3A_5 = tpu.memref_slice %arg2[%dma_start3A_4, %mul3A_2] : memref<200x4096xi32, #tpu.memory_space<hbm>> -> memref<200x128xi32, #tpu.memory_space<hbm>>
    tpu.enqueue_dma source(%dma_start3A_5 : memref<200x128xi32, #tpu.memory_space<hbm>>) target(%arg6 : memref<200x128xi32, #tpu.memory_space<vmem>>) target_semaphore(%arg8 : memref<!tpu.dma_semaphore, #tpu.memory_space<semaphore_mem>>)
    %dma_wait3A = arith.constant 0 : i32
    %dma_wait3A_6 = tpu.memref_slice %arg2[%dma_wait3A, %mul3A_2] : memref<200x4096xi32, #tpu.memory_space<hbm>> -> memref<200x128xi32, #tpu.memory_space<hbm>>
    %dma_wait3A_7 = arith.constant 0 : i32
    %dma_wait3A_8 = tpu.memref_slice %arg2[%dma_wait3A_7, %mul3A_2] : memref<200x4096xi32, #tpu.memory_space<hbm>> -> memref<200x128xi32, #tpu.memory_space<hbm>>
    tpu.wait_dma2 semaphore(%arg8 : memref<!tpu.dma_semaphore, #tpu.memory_space<semaphore_mem>>) src(%dma_wait3A_8 : memref<200x128xi32, #tpu.memory_space<hbm>>) dst(%arg6 : memref<200x128xi32, #tpu.memory_space<vmem>>)
    tpu.wait_dma2 semaphore(%arg7 : memref<!tpu.dma_semaphore, #tpu.memory_space<semaphore_mem>>) src(%arg3 : memref<100000xi32, #tpu.memory_space<hbm>>) dst(%arg5 : memref<100000xi32, #tpu.memory_space<vmem>>)
    %parallel_loop3A = arith.constant 0 : i32
    %parallel_loop3A_9 = arith.constant 200 : i32
    %parallel_loop3A_10 = arith.constant 1 : i32
    scf.for %parallel_loop3A_11 = %parallel_loop3A to %parallel_loop3A_9 step %parallel_loop3A_10  : i32 {
      %parallel_loop3A_12 = arith.index_cast %parallel_loop3A_11 : i32 to index
      %parallel_loop3A_13 = arith.constant 0 : index
      %parallel_loop3A_14 = tpu.vector_load %arg6[%parallel_loop3A_12, %parallel_loop3A_13] {strides = array<i32>} : memref<200x128xi32, #tpu.memory_space<vmem>>, vector<16xi32>,
      %parallel_loop3A_15 = tpu.vector_load_idx %arg5[%parallel_loop3A_14] : memref<100000xi32, #tpu.memory_space<vmem>>[vector<16xi32>], vector<16xi32>,
      %parallel_loop3A_16 = arith.index_cast %parallel_loop3A_11 : i32 to index
      %parallel_loop3A_17 = arith.constant 0 : index
      %parallel_loop3A_18 = tpu.vector_load %arg6[%parallel_loop3A_16, %parallel_loop3A_17] {strides = array<i32>} : memref<200x128xi32, #tpu.memory_space<vmem>>, vector<16xi32>,
      tpu.vector_store %arg6[%parallel_loop3A_16, %parallel_loop3A_17], %parallel_loop3A_15 {strides = array<i32>} : memref<200x128xi32, #tpu.memory_space<vmem>>, vector<16xi32>,
      %parallel_loop3A_19 = arith.index_cast %parallel_loop3A_11 : i32 to index
      %parallel_loop3A_20 = arith.constant 16 : index
      %parallel_loop3A_21 = tpu.vector_load %arg6[%parallel_loop3A_19, %parallel_loop3A_20] {strides = array<i32>} : memref<200x128xi32, #tpu.memory_space<vmem>>, vector<16xi32>,
      %parallel_loop3A_22 = tpu.vector_load_idx %arg5[%parallel_loop3A_21] : memref<100000xi32, #tpu.memory_space<vmem>>[vector<16xi32>], vector<16xi32>,
      %parallel_loop3A_23 = arith.index_cast %parallel_loop3A_11 : i32 to index
      %parallel_loop3A_24 = arith.constant 16 : index
      %parallel_loop3A_25 = tpu.vector_load %arg6[%parallel_loop3A_23, %parallel_loop3A_24] {strides = array<i32>} : memref<200x128xi32, #tpu.memory_space<vmem>>, vector<16xi32>,
      tpu.vector_store %arg6[%parallel_loop3A_23, %parallel_loop3A_24], %parallel_loop3A_22 {strides = array<i32>} : memref<200x128xi32, #tpu.memory_space<vmem>>, vector<16xi32>,
      %parallel_loop3A_26 = arith.index_cast %parallel_loop3A_11 : i32 to index
      %parallel_loop3A_27 = arith.constant 32 : index
      %parallel_loop3A_28 = tpu.vector_load %arg6[%parallel_loop3A_26, %parallel_loop3A_27] {strides = array<i32>} : memref<200x128xi32, #tpu.memory_space<vmem>>, vector<16xi32>,
      %parallel_loop3A_29 = tpu.vector_load_idx %arg5[%parallel_loop3A_28] : memref<100000xi32, #tpu.memory_space<vmem>>[vector<16xi32>], vector<16xi32>,
      %parallel_loop3A_30 = arith.index_cast %parallel_loop3A_11 : i32 to index
      %parallel_loop3A_31 = arith.constant 32 : index
      %parallel_loop3A_32 = tpu.vector_load %arg6[%parallel_loop3A_30, %parallel_loop3A_31] {strides = array<i32>} : memref<200x128xi32, #tpu.memory_space<vmem>>, vector<16xi32>,
      tpu.vector_store %arg6[%parallel_loop3A_30, %parallel_loop3A_31], %parallel_loop3A_29 {strides = array<i32>} : memref<200x128xi32, #tpu.memory_space<vmem>>, vector<16xi32>,
      %parallel_loop3A_33 = arith.index_cast %parallel_loop3A_11 : i32 to index
      %parallel_loop3A_34 = arith.constant 48 : index
      %parallel_loop3A_35 = tpu.vector_load %arg6[%parallel_loop3A_33, %parallel_loop3A_34] {strides = array<i32>} : memref<200x128xi32, #tpu.memory_space<vmem>>, vector<16xi32>,
      %parallel_loop3A_36 = tpu.vector_load_idx %arg5[%parallel_loop3A_35] : memref<100000xi32, #tpu.memory_space<vmem>>[vector<16xi32>], vector<16xi32>,
      %parallel_loop3A_37 = arith.index_cast %parallel_loop3A_11 : i32 to index
      %parallel_loop3A_38 = arith.constant 48 : index
      %parallel_loop3A_39 = tpu.vector_load %arg6[%parallel_loop3A_37, %parallel_loop3A_38] {strides = array<i32>} : memref<200x128xi32, #tpu.memory_space<vmem>>, vector<16xi32>,
      tpu.vector_store %arg6[%parallel_loop3A_37, %parallel_loop3A_38], %parallel_loop3A_36 {strides = array<i32>} : memref<200x128xi32, #tpu.memory_space<vmem>>, vector<16xi32>,
      %parallel_loop3A_40 = arith.index_cast %parallel_loop3A_11 : i32 to index
      %parallel_loop3A_41 = arith.constant 64 : index
      %parallel_loop3A_42 = tpu.vector_load %arg6[%parallel_loop3A_40, %parallel_loop3A_41] {strides = array<i32>} : memref<200x128xi32, #tpu.memory_space<vmem>>, vector<16xi32>,
      %parallel_loop3A_43 = tpu.vector_load_idx %arg5[%parallel_loop3A_42] : memref<100000xi32, #tpu.memory_space<vmem>>[vector<16xi32>], vector<16xi32>,
      %parallel_loop3A_44 = arith.index_cast %parallel_loop3A_11 : i32 to index
      %parallel_loop3A_45 = arith.constant 64 : index
      %parallel_loop3A_46 = tpu.vector_load %arg6[%parallel_loop3A_44, %parallel_loop3A_45] {strides = array<i32>} : memref<200x128xi32, #tpu.memory_space<vmem>>, vector<16xi32>,
      tpu.vector_store %arg6[%parallel_loop3A_44, %parallel_loop3A_45], %parallel_loop3A_43 {strides = array<i32>} : memref<200x128xi32, #tpu.memory_space<vmem>>, vector<16xi32>,
      %parallel_loop3A_47 = arith.index_cast %parallel_loop3A_11 : i32 to index
      %parallel_loop3A_48 = arith.constant 80 : index
      %parallel_loop3A_49 = tpu.vector_load %arg6[%parallel_loop3A_47, %parallel_loop3A_48] {strides = array<i32>} : memref<200x128xi32, #tpu.memory_space<vmem>>, vector<16xi32>,
      %parallel_loop3A_50 = tpu.vector_load_idx %arg5[%parallel_loop3A_49] : memref<100000xi32, #tpu.memory_space<vmem>>[vector<16xi32>], vector<16xi32>,
      %parallel_loop3A_51 = arith.index_cast %parallel_loop3A_11 : i32 to index
      %parallel_loop3A_52 = arith.constant 80 : index
      %parallel_loop3A_53 = tpu.vector_load %arg6[%parallel_loop3A_51, %parallel_loop3A_52] {strides = array<i32>} : memref<200x128xi32, #tpu.memory_space<vmem>>, vector<16xi32>,
      tpu.vector_store %arg6[%parallel_loop3A_51, %parallel_loop3A_52], %parallel_loop3A_50 {strides = array<i32>} : memref<200x128xi32, #tpu.memory_space<vmem>>, vector<16xi32>,
      %parallel_loop3A_54 = arith.index_cast %parallel_loop3A_11 : i32 to index
      %parallel_loop3A_55 = arith.constant 96 : index
      %parallel_loop3A_56 = tpu.vector_load %arg6[%parallel_loop3A_54, %parallel_loop3A_55] {strides = array<i32>} : memref<200x128xi32, #tpu.memory_space<vmem>>, vector<16xi32>,
      %parallel_loop3A_57 = tpu.vector_load_idx %arg5[%parallel_loop3A_56] : memref<100000xi32, #tpu.memory_space<vmem>>[vector<16xi32>], vector<16xi32>,
      %parallel_loop3A_58 = arith.index_cast %parallel_loop3A_11 : i32 to index
      %parallel_loop3A_59 = arith.constant 96 : index
      %parallel_loop3A_60 = tpu.vector_load %arg6[%parallel_loop3A_58, %parallel_loop3A_59] {strides = array<i32>} : memref<200x128xi32, #tpu.memory_space<vmem>>, vector<16xi32>,
      tpu.vector_store %arg6[%parallel_loop3A_58, %parallel_loop3A_59], %parallel_loop3A_57 {strides = array<i32>} : memref<200x128xi32, #tpu.memory_space<vmem>>, vector<16xi32>,
      %parallel_loop3A_61 = arith.index_cast %parallel_loop3A_11 : i32 to index
      %parallel_loop3A_62 = arith.constant 112 : index
      %parallel_loop3A_63 = tpu.vector_load %arg6[%parallel_loop3A_61, %parallel_loop3A_62] {strides = array<i32>} : memref<200x128xi32, #tpu.memory_space<vmem>>, vector<16xi32>,
      %parallel_loop3A_64 = tpu.vector_load_idx %arg5[%parallel_loop3A_63] : memref<100000xi32, #tpu.memory_space<vmem>>[vector<16xi32>], vector<16xi32>,
      %parallel_loop3A_65 = arith.index_cast %parallel_loop3A_11 : i32 to index
      %parallel_loop3A_66 = arith.constant 112 : index
      %parallel_loop3A_67 = tpu.vector_load %arg6[%parallel_loop3A_65, %parallel_loop3A_66] {strides = array<i32>} : memref<200x128xi32, #tpu.memory_space<vmem>>, vector<16xi32>,
      tpu.vector_store %arg6[%parallel_loop3A_65, %parallel_loop3A_66], %parallel_loop3A_64 {strides = array<i32>} : memref<200x128xi32, #tpu.memory_space<vmem>>, vector<16xi32>,
    } {sc.loop_unroll_factor = 2 : i64, sc.parallel_access}
    "tpu.region"() ({
      %run_scoped3A = tpu.sem_alloc : memref<!tpu.dma_semaphore, #tpu.memory_space<semaphore_mem>>
      %dma_start3A_11 = arith.constant 0 : i32
      %dma_start3A_12 = tpu.memref_slice %arg4[%dma_start3A_11, %mul3A_2] : memref<200x4096xi32, #tpu.memory_space<hbm>> -> memref<200x128xi32, #tpu.memory_space<hbm>>
      %dma_start3A_13 = arith.constant 0 : i32
      %dma_start3A_14 = tpu.memref_slice %arg4[%dma_start3A_13, %mul3A_2] : memref<200x4096xi32, #tpu.memory_space<hbm>> -> memref<200x128xi32, #tpu.memory_space<hbm>>
      tpu.enqueue_dma source(%arg6 : memref<200x128xi32, #tpu.memory_space<vmem>>) target(%dma_start3A_14 : memref<200x128xi32, #tpu.memory_space<hbm>>) target_semaphore(%run_scoped3A : memref<!tpu.dma_semaphore, #tpu.memory_space<semaphore_mem>>)
      %dma_wait3A_15 = arith.constant 0 : i32
      %dma_wait3A_16 = tpu.memref_slice %arg4[%dma_wait3A_15, %mul3A_2] : memref<200x4096xi32, #tpu.memory_space<hbm>> -> memref<200x128xi32, #tpu.memory_space<hbm>>
      %dma_wait3A_17 = arith.constant 0 : i32
      %dma_wait3A_18 = tpu.memref_slice %arg4[%dma_wait3A_17, %mul3A_2] : memref<200x4096xi32, #tpu.memory_space<hbm>> -> memref<200x128xi32, #tpu.memory_space<hbm>>
      tpu.wait_dma2 semaphore(%run_scoped3A : memref<!tpu.dma_semaphore, #tpu.memory_space<semaphore_mem>>) src(%arg6 : memref<200x128xi32, #tpu.memory_space<vmem>>) dst(%dma_wait3A_18 : memref<200x128xi32, #tpu.memory_space<hbm>>)
      tpu.yield
    }) : () -> ()
    return
  }
}

</mosaic_0001>

<sc_bundles>
// kernel: kernel.3.cloned.1.call-start
scs
__scs_entry_jumppad:
0x0: {  	(pc) =	sbr.rel $0x88, $3  }
0x1: {  	(tag) =	ssettag $0x0;
	lr =	simm.s32 $0x1  }
0x2: {  	[smem:$0x3F9F] =	sst lr;
	_ =	strace $0xD0000000  }
0x3: {  	_ = 	snop  }
0x4: {  	_ = 	snop  }
0x5: {  	_ = 	snop  }
0x6: {  	_ = 	snop  }
0x7: {  	_ = 	snop  }
__scs_overlays_trampoline_lowered:
0x8: {  	[smem:$0x3FAE] =	sst s0  }
0x9: {  	[smem:$0x3FAF] =	sst s1  }
0xa: {  	[smem:$0x3FB0] =	sst s2  }
0xb: {  	[smem:$0x3FB1] =	sst s3  }
0xc: {  	[smem:$0x3FB2] =	sst s4  }
0xd: {  	[smem:$0x3FB3] =	sst s5  }
0xe: {  	[smem:$0x3FB4] =	sst s6  }
0xf: {  	[smem:$0x3FB5] =	sst s7  }
0x10: {  	[smem:$0x3FB6] =	sst s8  }
0x11: {  	[smem:$0x3FB7] =	sst s9;
	s0 =	simm.s32 @!p0 $0x0  }
0x12: {  	s1 =	sld [smem:$0x3F9D];
	s0 =	simm.s32 @p0 $0x1  }
0x13: {  	[smem:$0x3FB8] =	sst s0;
	s0 =	simm.s32 @!p1 $0x0  }
0x14: {  	s2 =	sld [smem:$0x3F9C];
	s0 =	simm.s32 @p1 $0x1  }
0x15: {  	[smem:$0x3FB9] =	sst s0;
	s0 =	simm.s32 @!p2 $0x0  }
0x16: {  	s3 =	sld [smem:$0x3FDB];
	s0 =	simm.s32 @p2 $0x1  }
0x17: {  	s4 =	simm.s32 $0x1BF5;
	[smem:$0x3FBB] =	sst s0  }
0x18: {  	s0 =	sld [smem:$0x3F9E];
	_ =	swait.ge [sflag:s4], $0x0  }
0x19: {  	s7 =	sld [smem:$0x3F9F]  }
0x1a: {  	s8 =	sadd.s32 $0xFFFFE003, lr  }
0x1b: {  	s9 =	sadd.s32 $0xFFFFFEF7, lr;
	s5 =	simm.s32 $0xFFFFFFFF;
	p2 =	slt.u32 s8, $0xFFFFF086  }
0x1c: {  	p1 =	slt.u32 s9, $0xF7A;
	s5 =	simm.s32 @!p2 $0x0  }
0x1d: {  	s5 =	simm.s32 @p1 $0x1;
	p0 =	seq.s32 s7, s2  }
0x1e: {  	s7 =	smul.u32 @!p0 $0xF7A, s2;
	p2 =	seq.s32 @!p0 s5, $0x0  }
0x1f: {  	s9 =	smul.u32 $0xF7A, s1;
	s8 =	simm.s32 @!p0 $0x1BF5;
	p2 =	por !p2, p0  }
0x20: {  	[sflag:s8] =	ssyncset.s32 @!p0 $0xFFFFF086;
	s6 =	sadd.s32 @!p0 s3, s7;
	s7 =	simm.s32 @!p0 $0x108  }
0x21: {  	s3 =	sadd.s32 s3, s9;
	s6 =	sadd.s32 @!p0 $0x88, s6;
	s7 =	simm.s32 @p2 $0x1082  }
0x22: {  	[simem:s7], [sflag:s8] =	dma.local @!p0 [hbm:s6], $0xF7A  }
0x23: {  	s9 =	sor.u32 $0xD0000000, s2;
	s6 =	simm.s32 $0x108;
	_ =	swait.ge @!p0 [sflag:s8], $0x0  }
0x24: {  	s3 =	sadd.s32 $0x88, s3;
	s6 =	simm.s32 @!p1 $0x1082;
	[sflag:s4] =	ssyncset.s32 $0xFFFFF086  }
0x25: {  	[simem:s6], [sflag:s4] =	dma.local [hbm:s3], $0xF7A  }
0x26: {  	[smem:$0x3F9F] =	sst s1;
	(tag) =	ssettag s2;
	_ =	strace s9  }
0x27: {  	s1 =	sld [smem:$0x3FAF]  }
0x28: {  	s2 =	sld [smem:$0x3FB0]  }
0x29: {  	s4 =	sld [smem:$0x3FB2]  }
0x2a: {  	p0 =	seq.s32 s5, $0x0;
	s5 =	sld [smem:$0x3FB3]  }
0x2b: {  	s6 =	sld [smem:$0x3FB4]  }
0x2c: {  	s7 =	sld [smem:$0x3FB5]  }
0x2d: {  	s3 =	simm.s32 $0x108;
	s8 =	sld [smem:$0x3FB6]  }
0x2e: {  	s3 =	simm.s32 @!p0 $0x1082;
	s9 =	sld [smem:$0x3FB7]  }
0x2f: {  	lr =	sadd.s32 s0, s3;
	s0 =	sld [smem:$0x3FAE]  }
0x30: {  	s3 =	sld [smem:$0x3FB1]  }
0x31: {  	[smem:$0x3FBA] =	sst s10  }
0x32: {  	s10 =	sld [smem:$0x3FB8];
	_ =	sdelay $0x3  }
0x33: {  	p0 =	seq.s32 s10, $0x1;
	s10 =	sld [smem:$0x3FBA];
	_ =	sdelay $0x3  }
0x34: {  	[smem:$0x3FBA] =	sst s10  }
0x35: {  	s10 =	sld [smem:$0x3FB9];
	_ =	sdelay $0x3  }
0x36: {  	p1 =	seq.s32 s10, $0x1;
	s10 =	sld [smem:$0x3FBA];
	_ =	sdelay $0x3  }
0x37: {  	[smem:$0x3FBA] =	sst s10  }
0x38: {  	s10 =	sld [smem:$0x3FBB]  }
0x39: {  	_ = 	snop;
	(pc) =	sbr.ind lr, $3  }
0x3a: {  	_ = 	snop  }
0x3b: {  	_ = 	snop  }
0x3c: {  	p2 =	seq.s32 s10, $0x1;
	s10 =	sld [smem:$0x3FBA]  }
0x3d: {  	_ =	shalt  }
0x3e: {  	_ =	shalt  }
0x3f: {  	_ =	shalt  }
0x40: {  	_ =	shalt  }
0x41: {  	_ =	shalt  }
0x42: {  	_ =	shalt  }
0x43: {  	_ =	shalt  }
0x44: {  	_ =	shalt  }
0x45: {  	_ =	shalt  }
0x46: {  	_ =	shalt  }
0x47: {  	_ =	shalt  }
0x48: {  	_ =	shalt  }
0x49: {  	_ =	shalt  }
0x4a: {  	_ =	shalt  }
0x4b: {  	_ =	shalt  }
0x4c: {  	_ =	shalt  }
0x4d: {  	_ =	shalt  }
0x4e: {  	_ =	shalt  }
0x4f: {  	_ =	shalt  }
0x50: {  	_ =	shalt  }
0x51: {  	_ =	shalt  }
0x52: {  	_ =	shalt  }
0x53: {  	_ =	shalt  }
0x54: {  	_ =	shalt  }
0x55: {  	_ =	shalt  }
0x56: {  	_ =	shalt  }
0x57: {  	_ =	shalt  }
0x58: {  	_ =	shalt  }
0x59: {  	_ =	shalt  }
0x5a: {  	_ =	shalt  }
0x5b: {  	_ =	shalt  }
0x5c: {  	_ =	shalt  }
0x5d: {  	_ =	shalt  }
0x5e: {  	_ =	shalt  }
0x5f: {  	_ =	shalt  }
0x60: {  	_ =	shalt  }
0x61: {  	_ =	shalt  }
0x62: {  	_ =	shalt  }
0x63: {  	_ =	shalt  }
0x64: {  	_ =	shalt  }
0x65: {  	_ =	shalt  }
0x66: {  	_ =	shalt  }
0x67: {  	_ =	shalt  }
0x68: {  	_ =	shalt  }
0x69: {  	_ =	shalt  }
0x6a: {  	_ =	shalt  }
0x6b: {  	_ =	shalt  }
0x6c: {  	_ =	shalt  }
0x6d: {  	_ =	shalt  }
0x6e: {  	_ =	shalt  }
0x6f: {  	_ =	shalt  }
0x70: {  	_ =	shalt  }
0x71: {  	_ =	shalt  }
0x72: {  	_ =	shalt  }
0x73: {  	_ =	shalt  }
0x74: {  	_ =	shalt  }
0x75: {  	_ =	shalt  }
0x76: {  	_ =	shalt  }
0x77: {  	_ =	shalt  }
0x78: {  	_ =	shalt  }
0x79: {  	_ =	shalt  }
0x7a: {  	_ =	shalt  }
0x7b: {  	_ =	shalt  }
0x7c: {  	_ =	shalt  }
0x7d: {  	_ =	shalt  }
0x7e: {  	_ =	shalt  }
0x7f: {  	_ =	shalt  }
0x80: {  	_ =	shalt  }
0x81: {  	_ =	shalt  }
0x82: {  	_ =	shalt  }
0x83: {  	_ =	shalt  }
0x84: {  	_ =	shalt  }
0x85: {  	_ =	shalt  }
0x86: {  	_ =	shalt  }
0x87: {  	_ =	shalt  }
.Lfunc_end0:
.L_simem_size_0:
called_computation_lowered:
.L_overlay_start_0:
0x88: {  	s2 =	sld [smem:$0x3FD9]  }
0x89: {  	s3 =	sld [smem:$0x3FFE];
	_ =	sdelay $0x1  }
0x8a: {  	s1 =	srdreg.scid  }
0x8b: {  	s0 =	sand.u32 $0x1, s1  }
0x8c: {  	s18 =	sshll.u32 s0, $0xA;
	s2 =	sadd.s32 s3, s2  }
0x8d: {  	s2 =	sadd.s32 s2, s18  }
0x8e: {  	[smem:$0x3FC6] =	sst s2  }
0x8f: {  	_ = 	snop  }
0x90: {  	s2 =	sld [smem:$0x3FC9]  }
0x91: {  	s19 =	sld [smem:$0x3FC8]  }
0x92: {  	s4 =	sld [smem:$0x3FD0];
	(tm) =	ssettm $0x1  }
0x93: {  	s5 =	sld [smem:$0x3FFB];
	_ =	sdelay $0x3  }
0x94: {  	_ =	strace s5  }
0x95: {  	s5 =	sld [smem:$0x3FFC];
	_ =	sdelay $0x3  }
0x96: {  	_ =	strace s5  }
0x97: {  	s5 =	sld [smem:$0x3FFD];
	_ =	sdelay $0x3  }
0x98: {  	_ =	strace s5  }
0x99: {  	_ =	strace $0x8FFFFFFF  }
0x9a: {  	s20 =	sld [smem:$0x3FDB];
	_ =	sdelay $0x1  }
0x9b: {  	s6 =	simm.s32 $_scs_section_size  }
0x9c: {  	s7 =	simm.s32 $_size__tile_overlayer_lowered;
	s8 =	simm.s32 $_tile_overlayer_lowered  }
0x9d: {  	s23 =	simm.s32 $0x1BFF;
	s22 =	sshll.u32 s8, $0x1;
	s5 =	sadd.s32 s6, s20  }
0x9e: {  	s9 =	simm.s32 $0x0;
	s21 =	sshll.u32 s7, $0x1;
	s7 =	sadd.s32 s22, s5  }
0x9f: {  	[timem:s9], [sflag:s23] =	dma.local [hbm:s7], s21  }
0xa0: {  	_ =	swait.ge [sflag:s23], s21  }
0xa1: {  	s6 =	ssub.s32 $0x0, s21;
	[sflag:s23] =	ssyncset.done $0x0  }
0xa2: {  	[sflag:s23] =	ssyncadd.s32 s6;
	_ =	sdelay $0x1  }
0xa3: {  	s24 =	simm.s32 $0x1B8B  }
0xa4: {  	_ =	swait.ge [sflag:s24], $0x1  }
0xa5: {  	[sflag:s24] =	ssyncset.done $0x0  }
0xa6: {  	s25 =	simm.s32 $0x1B8E;
	[sflag:s24] =	ssyncadd.s32 $0xFFFFFFFF  }
0xa7: {  	s26 =	simm.s32 $execute0_lowered;
	[smem:$0x3FD2] =	sst s25  }
0xa8: {  	s6 =	sshll.u32 s26, $0x1;
	_ =	strace $0x80000046;
	[dreg:$0x1] =	wrdreg $0xFFFFFFFF  }
0xa9: {  	s28 =	simm.s32 $_size_execute0_lowered;
	s5 =	sadd.s32 s5, s6;
	[dreg:$0x0] =	wrdreg $0x0  }
0xaa: {  	s6 =	sshll.u32 s28, $0x1;
	[dreg:$0x2] =	wrdreg s5  }
0xab: {  	[dreg:$0x3] =	wrdreg s6  }
0xac: {  	[dreg:$0x4] =	wrdreg $0xC0  }
0xad: {  	_ =	task [dreg:s9], $0x5FFFF  }
0xae: {  	[dreg:$0x1] =	wrdreg $0xFFFFFFFF  }
0xaf: {  	[dreg:$0x0] =	wrdreg $0x60  }
0xb0: {  	[dreg:$0x2] =	wrdreg s2  }
0xb1: {  	[dreg:$0x3] =	wrdreg s19  }
0xb2: {  	[dreg:$0x4] =	wrdreg s4  }
0xb3: {  	[dreg:$0x5] =	wrdreg $0x9  }
0xb4: {  	_ =	task.clear_ibuf [dreg:s9], $0x6FFFF;
	_ =	strace $0x90000046  }
0xb5: {  	s29 =	simm.s32 $0x9;
	_ =	strace $0x80000048  }
0xb6: {  	_ =	swait.ge [sflag:s29], $0x1  }
0xb7: {  	[sflag:s29] =	ssyncadd.s32 $0xFFFFFFFF  }
0xb8: {  	_ =	strace $0x90000048  }
0xb9: {  	_ =	sfence  }
0xba: {  	s30 =	sld [smem:$0x0];
	_ =	sdelay $0x2  }
0xbb: {  	s31 =	sshll.u32 s1, $0xD;
	s1 =	sshrl.u32 s1, $0x2  }
0xbc: {  	s3 =	sand.u32 $0x4000, s31;
	s1 =	sadd.s32 s1, s30  }
0xbd: {  	s0 =	sor.u32 s3, s0;
	s1 =	sshll.u32 s1, $0x11  }
0xbe: {  	s0 =	sor.u32 s1, s0  }
0xbf: {  	s0 =	sadd.s32 $0x8F2B, s0  }
0xc0: {  	[sflag:s0] =	ssyncadd.remote.s32 $0x1  }
0xc1: {  	_ =	sfence.sel $0xFFFF  }
0xc2: {  	[dreg:$0x0] =	wrdreg $0xFFFFFFFF;
	(pc) =	sbr.abs _section_cstart, $3  }
0xc3: {  	[dreg:$0x1] =	wrdreg $0xFFFFFFFF  }
0xc4: {  	_ =	task.clear_ibuf [dreg:s9], $0x2FFFF;
	_ =	strace $0x9FFFFFFF  }
0xc5: {  	(tm) =	ssettm $0x7FFFFFFF  }
tec
execute0_lowered:
.L_overlay_start_1:
0x0: {  	(tag) =	ssettag $0x1  }
0x1: {  	s4 =	rddreg [dreg:$0x0]  }
0x2: {  	s1 =	rddreg [dreg:$0x1]  }
0x3: {  	s5 =	rddreg [dreg:$0x2]  }
0x4: {  	s0 =	rddreg [dreg:$0x3];
	s6 =	srdreg.scid  }
0x5: {  	s3 =	simm.s32 $0x0;
	s2 =	stileid.u32;
	s10 =	simm.s32 $0x2  }
0x6: {  	s11 =	simm.s32 $0x1;
	s12 =	simm.s32 $0x3;
	s13 =	simm.s32 $0x0  }
0x7: {  	s6 =	sand.u32 $0x1, s6;
	s8 =	sshll.u32 s2, $0x8;
	[smem:$0x7FF] =	sst s3  }
0x8: {  	s7 =	ssub.s32 $0x2, s6;
	s6 =	sshll.u32 s6, $0x7;
	_ =	strace $0x80000047  }
0x9: {  	s9 =	sshrl.u32 s7, $0x1;
	s6 =	sor.u32 s6, s8;
	s8 =	simm.s32 $0x8000  }
0xa: {  	s7 =	ssub.s32 s7, s9;
	s4 =	sadd.s32 s4, s6;
	s5 =	sadd.s32 s5, s6  }
0xb: {  	s9 =	simm.s32 $0x18700;
	s6 =	smax.u32 s7, $0x1;
	s7 =	simm.s32 $0x400  }
.LBB2_1:
0xc: {  	[tilespmem:s3], [sflag:$0x1] =	stream.linear.gather [hbm4b:s1+s3], $0x18700, $0x38;
	[tilespmem:$0x1EB00] =	vst v63  }
0xd: {  	_ = 	snop  }
0xe: {  	[tilespmem:s9], [sflag:$0x2] =	stream.strided.gather [hbm4b:s4+s7], $0x6400, s8, s7, $0x38;
	[tilespmem:$0x1EB00] =	vst v63  }
0xf: {  	_ =	swait.ge [sflag:s10], $0x6400  }
0x10: {  	[sflag:s10] =	ssyncset.done $0x0  }
0x11: {  	[sflag:s10] =	ssyncadd.s32 $0xFFFF9C00  }
0x12: {  	_ =	swait.ge [sflag:s11], $0x18700  }
0x13: {  	[sflag:s11] =	ssyncset.done $0x0  }
0x14: {  	s14 =	simm.s32 $0x18780;
	[sflag:s11] =	ssyncadd.s32 $0xFFFE7900  }
0x15: {  	v0 =	vld [tilespmem:s14+$0x0]  }
0x16: {  	v1 =	vld [tilespmem:s14+$0xFFFFFF80];
	_ =	sdelay $0x3  }
0x17: {  	v2 =	vld [tilespmem:s14+$0x10]  }
0x18: {  	v3 =	vld [tilespmem:s14+$0xFFFFFF90]  }
0x19: {  	v4 =	vld [tilespmem:s14+$0xFFFFFFA0]  }
0x1a: {  	v0 =	vld.idx.msk [tilespmem:v0+s3+$0x0], $0xffff  }
0x1b: {  	v1 =	vld.idx.msk [tilespmem:v1+s3+$0x0], $0xffff  }
0x1c: {  	v5 =	vld [tilespmem:s14+$0xFFFFFFB0]  }
0x1d: {  	v6 =	vld [tilespmem:s14+$0xFFFFFFC0]  }
0x1e: {  	v10 =	vld [tilespmem:s14+$0xFFFFFFF0]  }
0x1f: {  	[tilespmem:s14+$0x0] =	vst v0;
	v0 =	vld [tilespmem:s14+$0x20]  }
0x20: {  	[tilespmem:s14+$0xFFFFFF80] =	vst v1;
	v2 =	vld.idx.msk [tilespmem:v2+s3+$0x0], $0xffff  }
0x21: {  	s15 =	simm.s32 $0x18880;
	v1 =	vld.idx.msk [tilespmem:v3+s3+$0x0], $0xffff  }
0x22: {  	v7 =	vld [tilespmem:s15+$0xFFFFFF80]  }
0x23: {  	v8 =	vld [tilespmem:s15+$0xFFFFFF90]  }
0x24: {  	v9 =	vld [tilespmem:s15+$0xFFFFFFA0]  }
0x25: {  	v11 =	vld [tilespmem:s15+$0x10];
	[tilespmem:s14+$0x10] =	vst v2  }
0x26: {  	v2 =	vld [tilespmem:s14+$0x30];
	[tilespmem:s14+$0xFFFFFF90] =	vst v1  }
0x27: {  	v1 =	vld.idx.msk [tilespmem:v4+s3+$0x0], $0xffff  }
0x28: {  	v0 =	vld.idx.msk [tilespmem:v0+s3+$0x0], $0xffff  }
0x29: {  	v12 =	vld [tilespmem:s15+$0xFFFFFFB0]  }
0x2a: {  	s16 =	simm.s32 $0x18980;
	v13 =	vld [tilespmem:s15+$0xFFFFFFC0]  }
0x2b: {  	v59 =	vld [tilespmem:s16+$0xFFFFFFA0]  }
0x2c: {  	[tilespmem:s14+$0xFFFFFFA0] =	vst v1;
	v1 =	vld [tilespmem:s15+$0x0]  }
0x2d: {  	[tilespmem:s14+$0x20] =	vst v0;
	v0 =	vld [tilespmem:s14+$0x40]  }
0x2e: {  	v2 =	vld.idx.msk [tilespmem:v2+s3+$0x0], $0xffff  }
0x2f: {  	v14 =	vld [tilespmem:s16+$0xFFFFFFB0]  }
0x30: {  	v15 =	vld [tilespmem:s16+$0x10]  }
0x31: {  	v60 =	vld [tilespmem:s16+$0x20]  }
0x32: {  	v61 =	vld [tilespmem:s15+$0x70]  }
0x33: {  	[tilespmem:s14+$0x30] =	vst v2;
	v2 =	vld [tilespmem:s14+$0x50]  }
0x34: {  	v1 =	vld.idx.msk [tilespmem:v1+s3+$0x0], $0xffff  }
0x35: {  	v0 =	vld.idx.msk [tilespmem:v0+s3+$0x0], $0xffff  }
0x36: {  	v5 =	vld.idx.msk [tilespmem:v5+s3+$0x0], $0xffff  }
0x37: {  	v7 =	vld.idx.msk [tilespmem:v7+s3+$0x0], $0xffff  }
0x38: {  	v3 =	vld [tilespmem:s14+$0xFFFFFFD0]  }
0x39: {  	[tilespmem:s15+$0x0] =	vst v1;
	v1 =	vld [tilespmem:s15+$0x20]  }
0x3a: {  	[tilespmem:s14+$0x40] =	vst v0;
	v0 =	vld [tilespmem:s14+$0x60]  }
0x3b: {  	[tilespmem:s14+$0xFFFFFFB0] =	vst v5;
	v5 =	vld.idx.msk [tilespmem:v11+s3+$0x0], $0xffff  }
0x3c: {  	[tilespmem:s15+$0xFFFFFF80] =	vst v7;
	v2 =	vld.idx.msk [tilespmem:v2+s3+$0x0], $0xffff  }
0x3d: {  	v7 =	vld.idx.msk [tilespmem:v8+s3+$0x0], $0xffff  }
0x3e: {  	v4 =	vld [tilespmem:s14+$0xFFFFFFE0]  }
0x3f: {  	v6 =	vld.idx.msk [tilespmem:v6+s3+$0x0], $0xffff  }
0x40: {  	[tilespmem:s15+$0x10] =	vst v5;
	v5 =	vld [tilespmem:s15+$0x30]  }
0x41: {  	[tilespmem:s14+$0x50] =	vst v2;
	v2 =	vld [tilespmem:s14+$0x70]  }
0x42: {  	v1 =	vld.idx.msk [tilespmem:v1+s3+$0x0], $0xffff  }
0x43: {  	v0 =	vld.idx.msk [tilespmem:v0+s3+$0x0], $0xffff  }
0x44: {  	v62 =	vld [tilespmem:s16+$0x30];
	[tilespmem:s14+$0xFFFFFFC0] =	vst v6  }
0x45: {  	v3 =	vld.idx.msk [tilespmem:v3+s3+$0x0], $0xffff  }
0x46: {  	v8 =	vld [tilespmem:s15+$0xFFFFFFD0];
	[tilespmem:s15+$0xFFFFFF90] =	vst v7  }
0x47: {  	v6 =	vld.idx.msk [tilespmem:v9+s3+$0x0], $0xffff;
	[tilespmem:s15+$0x20] =	vst v1  }
0x48: {  	v1 =	vld [tilespmem:s15+$0x40];
	[tilespmem:s14+$0x60] =	vst v0  }
0x49: {  	v9 =	vld.idx.msk [tilespmem:v2+s3+$0x0], $0xffff  }
0x4a: {  	[tilespmem:s14+$0xFFFFFFD0] =	vst v3;
	v2 =	vld.idx.msk [tilespmem:v5+s3+$0x0], $0xffff  }
0x4b: {  	v11 =	vld.idx.msk [tilespmem:v4+s3+$0x0], $0xffff  }
0x4c: {  	[tilespmem:s15+$0xFFFFFFA0] =	vst v6;
	v4 =	vld [tilespmem:s16+$0x0]  }
0x4d: {  	v3 =	vld.idx.msk [tilespmem:v12+s3+$0x0], $0xffff  }
0x4e: {  	v5 =	vld [tilespmem:s16+$0xFFFFFF80]  }
0x4f: {  	[tilespmem:s15+$0x30] =	vst v2;
	v2 =	vld [tilespmem:s15+$0x50]  }
0x50: {  	v1 =	vld.idx.msk [tilespmem:v1+s3+$0x0], $0xffff  }
0x51: {  	v7 =	vld [tilespmem:s15+$0xFFFFFFE0]  }
0x52: {  	v6 =	vld [tilespmem:s16+$0xFFFFFF90];
	[tilespmem:s15+$0xFFFFFFB0] =	vst v3  }
0x53: {  	v3 =	vld.idx.msk [tilespmem:v13+s3+$0x0], $0xffff  }
0x54: {  	v4 =	vld.idx.msk [tilespmem:v4+s3+$0x0], $0xffff  }
0x55: {  	[tilespmem:s15+$0x40] =	vst v1;
	v1 =	vld [tilespmem:s15+$0x60]  }
0x56: {  	v5 =	vld.idx.msk [tilespmem:v5+s3+$0x0], $0xffff  }
0x57: {  	v16 =	vld.idx.msk [tilespmem:v2+s3+$0x0], $0xffff  }
0x58: {  	v0 =	vld [tilespmem:s15+$0xFFFFFFF0]  }
0x59: {  	[tilespmem:s15+$0xFFFFFFC0] =	vst v3;
	v3 =	vld [tilespmem:s16+$0xFFFFFFE0]  }
0x5a: {  	v8 =	vld.idx.msk [tilespmem:v8+s3+$0x0], $0xffff;
	[tilespmem:s16+$0x0] =	vst v4  }
0x5b: {  	[tilespmem:s16+$0xFFFFFF80] =	vst v5;
	v5 =	vld.idx.msk [tilespmem:v15+s3+$0x0], $0xffff  }
0x5c: {  	v6 =	vld.idx.msk [tilespmem:v6+s3+$0x0], $0xffff;
	[tilespmem:s15+$0x50] =	vst v16  }
0x5d: {  	v1 =	vld.idx.msk [tilespmem:v1+s3+$0x0], $0xffff  }
0x5e: {  	v4 =	vld [tilespmem:s16+$0xFFFFFFD0]  }
0x5f: {  	[tilespmem:s15+$0xFFFFFFD0] =	vst v8;
	v2 =	vld [tilespmem:s16+$0xFFFFFFC0]  }
0x60: {  	[tilespmem:s16+$0x10] =	vst v5;
	v5 =	vld.idx.msk [tilespmem:v7+s3+$0x0], $0xffff  }
0x61: {  	[tilespmem:s16+$0xFFFFFF90] =	vst v6;
	v6 =	vld.idx.msk [tilespmem:v60+s3+$0x0], $0xffff  }
0x62: {  	v12 =	vld.idx.msk [tilespmem:v59+s3+$0x0], $0xffff;
	[tilespmem:s15+$0x60] =	vst v1  }
0x63: {  	v63 =	vld.idx.msk [tilespmem:v61+s3+$0x0], $0xffff  }
0x64: {  	[tilespmem:s14+$0xFFFFFFE0] =	vst v11;
	v7 =	vld [tilespmem:s16+$0x40]  }
0x65: {  	[tilespmem:s14+$0x70] =	vst v9;
	v1 =	vld [tilespmem:s16+$0xFFFFFFF0]  }
0x66: {  	[tilespmem:s16+$0x20] =	vst v6;
	v6 =	vld.idx.msk [tilespmem:v10+s3+$0x0], $0xffff  }
0x67: {  	[tilespmem:s16+$0xFFFFFFA0] =	vst v12;
	v9 =	vld.idx.msk [tilespmem:v62+s3+$0x0], $0xffff  }
0x68: {  	s17 =	simm.s32 $0x4;
	s18 =	simm.s32 $0x18A80;
	v8 =	vld.idx.msk [tilespmem:v14+s3+$0x0], $0xffff;
	[tilespmem:s15+$0x70] =	vst v63  }
.LBB2_2:
0x69: {  	v10 =	vld [tilespmem:s18+$0x0];
	s17 =	sadd.s32 $0x2, s17  }
0x6a: {  	v11 =	vld [tilespmem:s18+$0xFFFFFF80];
	p0 =	slt.u32 s17, $0xC6;
	[tilespmem:s15+$0xFFFFFFE0] =	vst v5  }
0x6b: {  	v5 =	vld [tilespmem:s18+$0xFFFFFF90]  }
0x6c: {  	[tilespmem:s16+$0x30] =	vst v9;
	v9 =	vld [tilespmem:s16+$0x50]  }
0x6d: {  	[tilespmem:s16+$0xFFFFFFB0] =	vst v8;
	v7 =	vld.idx.msk [tilespmem:v7+s3+$0x0], $0xffff  }
0x6e: {  	v8 =	vld [tilespmem:s18+$0xFFFFFFA0];
	[tilespmem:s14+$0xFFFFFFF0] =	vst v6;
	s14 =	smov.u32 s15;
	s15 =	smov.u32 s16;
	s16 =	smov.u32 s18  }
0x6f: {  	v6 =	vld [tilespmem:s18+$0xFFFFFFB0]  }
0x70: {  	v12 =	vld [tilespmem:s18+$0x10]  }
0x71: {  	v10 =	vld.idx.msk [tilespmem:v10+s3+$0x0], $0xffff  }
0x72: {  	v11 =	vld.idx.msk [tilespmem:v11+s3+$0x0], $0xffff  }
0x73: {  	[tilespmem:s15+$0x40] =	vst v7;
	v7 =	vld [tilespmem:s15+$0x60]  }
0x74: {  	v9 =	vld.idx.msk [tilespmem:v9+s3+$0x0], $0xffff  }
0x75: {  	v13 =	vld [tilespmem:s18+$0xFFFFFFC0]  }
0x76: {  	v14 =	vld.idx.msk [tilespmem:v2+s3+$0x0], $0xffff  }
0x77: {  	[tilespmem:s18+$0x0] =	vst v10;
	v10 =	vld [tilespmem:s18+$0x20]  }
0x78: {  	[tilespmem:s18+$0xFFFFFF80] =	vst v11;
	v11 =	vld.idx.msk [tilespmem:v12+s3+$0x0], $0xffff  }
0x79: {  	v5 =	vld.idx.msk [tilespmem:v5+s3+$0x0], $0xffff  }
0x7a: {  	[tilespmem:s15+$0x50] =	vst v9;
	v9 =	vld [tilespmem:s15+$0x70];
	v2 =	vmov v13  }
0x7b: {  	v7 =	vld.idx.msk [tilespmem:v7+s3+$0x0], $0xffff  }
0x7c: {  	v12 =	vld [tilespmem:s18+$0xFFFFFFD0];
	[tilespmem:s15+$0xFFFFFFC0] =	vst v14  }
0x7d: {  	v13 =	vld.idx.msk [tilespmem:v4+s3+$0x0], $0xffff  }
0x7e: {  	[tilespmem:s18+$0x10] =	vst v11;
	v11 =	vld [tilespmem:s18+$0x30]  }
0x7f: {  	[tilespmem:s18+$0xFFFFFF90] =	vst v5;
	v10 =	vld.idx.msk [tilespmem:v10+s3+$0x0], $0xffff  }
0x80: {  	v8 =	vld.idx.msk [tilespmem:v8+s3+$0x0], $0xffff  }
0x81: {  	v14 =	vld [tilespmem:s18+$0xFFFFFFE0];
	[tilespmem:s15+$0x60] =	vst v7;
	v4 =	vmov v12  }
0x82: {  	v12 =	vld.idx.msk [tilespmem:v9+s3+$0x0], $0xffff  }
0x83: {  	v15 =	vld [tilespmem:s18+$0xFFFFFFF0];
	[tilespmem:s15+$0xFFFFFFD0] =	vst v13  }
.Ltmp0:
0x84: {  	v5 =	vld.idx.msk [tilespmem:v3+s3+$0x0], $0xffff;
	(pc) =	sbr.rel @p0 .LBB2_2-.Ltmp0, $4  }
0x85: {  	[tilespmem:s18+$0x20] =	vst v10;
	v7 =	vld [tilespmem:s18+$0x40]  }
0x86: {  	[tilespmem:s18+$0xFFFFFFA0] =	vst v8;
	v9 =	vld.idx.msk [tilespmem:v11+s3+$0x0], $0xffff;
	v3 =	vmov v14  }
0x87: {  	v8 =	vld.idx.msk [tilespmem:v6+s3+$0x0], $0xffff  }
0x88: {  	s18 =	sadd.s32 $0x100, s18;
	[tilespmem:s15+$0x70] =	vst v12;
	v6 =	vld.idx.msk [tilespmem:v0+s3+$0x0], $0xffff;
	v0 =	vmov v1;
	v1 =	vmov v15  }
0x89: {  	_ =	sdelay $0x2  }
0x8a: {  	v59 =	vld [tilespmem:s16+$0x50]  }
0x8b: {  	[tilespmem:s16+$0x30] =	vst v9  }
0x8c: {  	v7 =	vld.idx.msk [tilespmem:v7+s3+$0x0], $0xffff;
	[tilespmem:s16+$0xFFFFFFB0] =	vst v8  }
0x8d: {  	v2 =	vld.idx.msk [tilespmem:v2+s3+$0x0], $0xffff;
	_ =	sdelay $0x2  }
0x8e: {  	v60 =	vld [tilespmem:s16+$0x60]  }
0x8f: {  	[tilespmem:s16+$0x40] =	vst v7  }
0x90: {  	v61 =	vld.idx.msk [tilespmem:v59+s3+$0x0], $0xffff;
	[tilespmem:s16+$0xFFFFFFC0] =	vst v2  }
0x91: {  	v2 =	vld.idx.msk [tilespmem:v4+s3+$0x0], $0xffff;
	_ =	sdelay $0x2  }
0x92: {  	v62 =	vld [tilespmem:s16+$0x70]  }
0x93: {  	[tilespmem:s16+$0x50] =	vst v61  }
0x94: {  	v7 =	vld.idx.msk [tilespmem:v60+s3+$0x0], $0xffff;
	[tilespmem:s16+$0xFFFFFFD0] =	vst v2  }
0x95: {  	v2 =	vld.idx.msk [tilespmem:v3+s3+$0x0], $0xffff;
	_ =	sdelay $0x2  }
0x96: {  	[tilespmem:s15+$0xFFFFFFE0] =	vst v5  }
0x97: {  	v0 =	vld.idx.msk [tilespmem:v0+s3+$0x0], $0xffff;
	[tilespmem:s16+$0x60] =	vst v7  }
0x98: {  	v63 =	vld.idx.msk [tilespmem:v62+s3+$0x0], $0xffff;
	[tilespmem:s16+$0xFFFFFFE0] =	vst v2  }
0x99: {  	v1 =	vld.idx.msk [tilespmem:v1+s3+$0x0], $0xffff;
	_ =	sdelay $0x1  }
0x9a: {  	[tilespmem:s14+$0xFFFFFFF0] =	vst v6  }
0x9b: {  	s13 =	sadd.s32 $0x1, s13;
	[tilespmem:s15+$0xFFFFFFF0] =	vst v0  }
0x9c: {  	p0 =	sne.s32 s13, s6;
	[tilespmem:s16+$0x70] =	vst v63  }
.Ltmp1:
0x9d: {  	[tilespmem:s16+$0xFFFFFFF0] =	vst v1;
	(pc) =	sbr.rel @p0 .LBB2_1-.Ltmp1, $4  }
0x9e: {  	[hbm4b:s5+s7] =	stream.strided.scatter [tilespmem:s9], [sflag:$0x3], $0x6400, s8, s7, $0x38;
	[tilespmem:$0x1EB00] =	vst v63  }
0x9f: {  	_ =	swait.ge [sflag:s12], $0x6400  }
0xa0: {  	[sflag:s12] =	ssyncset.done $0x0  }
0xa1: {  	[sflag:s12] =	ssyncadd.s32 $0xFFFF9C00  }
0xa2: {  	_ =	sfence.sel $0x180000  }
0xa3: {  	[bflag:$0x0] =	sbarrier.arrive $0xFFFF  }
0xa4: {  	p0 =	sne.s32 s2, $0x0;
	_ =	strace $0x90000047  }
0xa5: {  	s0 =	sadd.s32 @!p0 $0x100000, s0;
	[bflag:$0x2] =	sbarrier.arrive $0xFFFF  }
0xa6: {  	[sflag:s0] =	ssyncadd.tile.s32 @!p0 $0x1;
	_ =	shalt  }
.Lfunc_end2:
_tile_overlayer_lowered:
.L_overlay_start_2:
0xa7: {  	(tag) =	ssettag $0x2  }
0xa8: {  	s0 =	rddreg [dreg:$0x0];
	s2 =	stileid.u32  }
0xa9: {  	s1 =	rddreg [dreg:$0x1];
	p0 =	sne.s32 s2, $0x0  }
0xaa: {  	s3 =	rddreg [dreg:$0x2];
	[bflag:$0x3] =	sbarrier.arrive $0xFFFF;
	s2 =	simm.s32 @!p0 $0x1C03  }
0xab: {  	[timem:s3], [sflag:s2] =	dma.local @!p0 [hbm:s0], s1  }
0xac: {  	s0 =	simm.s32 @!p0 $0x3  }
0xad: {  	_ =	swait.ge @!p0 [sflag:s0], s1  }
0xae: {  	s1 =	ssub.s32 @!p0 $0x0, s1;
	[sflag:s0] =	ssyncset.done @!p0 $0x0  }
0xaf: {  	[sflag:s0] =	ssyncadd.s32 @!p0 s1  }
0xb0: {  	[bflag:$0x3] =	sbarrier.arrive $0xFFFF  }
0xb1: {  	_ =	shalt  }

</sc_bundles>
